<compile_context>
chip_gen: v7x
topology: tpu7x:2x2x1
jax: 0.10.2.dev20260603
libtpu: 0.0.44.dev20260713+nightly
codegen_flags: <defaults>
</compile_context>

<pallas_src>
import jax
import jax.numpy as jnp
import numpy as np
from jax import lax
from jax.experimental import pallas as pl
from jax.experimental.pallas import tpu as pltpu
from jax.experimental.pallas import tpu_sc as plsc

NUM_TYPES = 128
N_NODES = 100000

_SPAN = 3200
_CHUNK = 800
_NCHUNK = _SPAN // _CHUNK
_GROUPS = _CHUNK // 16


def _sc_body(types_hbm, zeros_hbm, out0_hbm, out1_hbm, types_v, buf, sem):
    wid = lax.axis_index("s") * 2 + lax.axis_index("c")
    base = jnp.minimum(wid * _SPAN, N_NODES - _SPAN)
    pltpu.sync_copy(types_hbm.at[pl.ds(base, _SPAN)], types_v)
    pltpu.sync_copy(zeros_hbm, buf)
    ones16 = jnp.ones((16,), jnp.float32)
    zeros16 = jnp.zeros((16,), jnp.float32)
    iota16 = lax.iota(jnp.int32, 16)

    def do_chunk(c, _):
        def scat(g, _):
            t = types_v[pl.ds(c * _CHUNK + g * 16, 16)]
            plsc.store_scatter(buf, [(g * 16 + iota16) * NUM_TYPES + t], ones16)
            return 0

        lax.fori_loop(0, _GROUPS, scat, 0)
        flat0 = (base + c * _CHUNK) * NUM_TYPES
        cp0 = pltpu.async_copy(buf, out0_hbm.at[pl.ds(flat0, _CHUNK * NUM_TYPES)], sem)
        cp1 = pltpu.async_copy(buf, out1_hbm.at[pl.ds(flat0, _CHUNK * NUM_TYPES)], sem)
        cp0.wait()
        cp1.wait()

        def unscat(g, _):
            t = types_v[pl.ds(c * _CHUNK + g * 16, 16)]
            plsc.store_scatter(buf, [(g * 16 + iota16) * NUM_TYPES + t], zeros16)
            return 0

        lax.fori_loop(0, _GROUPS, unscat, 0)
        return 0

    lax.fori_loop(0, _NCHUNK, do_chunk, 0)


_ZEROS = np.zeros((_CHUNK * NUM_TYPES,), np.float32)


def kernel(node_types, pos):
    types = jnp.reshape(node_types, (N_NODES,))
    mesh = plsc.VectorSubcoreMesh(core_axis_name="c", subcore_axis_name="s")
    k = pl.kernel(
        _sc_body,
        out_type=[
            jax.ShapeDtypeStruct((N_NODES * NUM_TYPES,), jnp.float32),
            jax.ShapeDtypeStruct((N_NODES * NUM_TYPES,), jnp.float32),
        ],
        mesh=mesh,
        compiler_params=pltpu.CompilerParams(needs_layout_passes=False),
        scratch_types=[
            pltpu.VMEM((_SPAN,), jnp.int32),
            pltpu.VMEM((_CHUNK * NUM_TYPES,), jnp.float32),
            pltpu.SemaphoreType.DMA,
        ],
    )
    out0, out1 = k(types, _ZEROS)
    shape = (N_NODES, NUM_TYPES)
    return (jnp.reshape(out0, shape), jnp.reshape(out1, shape))

# --- scband reference (transcript-rebuilt; emitter-appended) ---
"""Pipeline reference for scband-one-hot-atom-encoding-2645699855017 (READ-ONLY COPY).

The authoritative reference and input builder live on the scoring server;
editing this copy changes nothing except your own understanding.
"""

import jax, jax.numpy as jnp
import numpy as np

NUM_TYPES = 128
N_NODES = 100000


def setup_inputs(seed: int = 0) -> dict:
    key = jax.random.key(seed)
    k1, k2 = jax.random.split(key)
    node_types = jax.random.randint(k1, (N_NODES, 1), 0, NUM_TYPES, dtype=jnp.int64 if jax.config.jax_enable_x64 else jnp.int32).astype(jnp.int32)
    pos = jax.random.normal(k2, (N_NODES, 3), dtype=jnp.float32)
    return {"node_types": node_types, "pos": pos}


def reference(node_types, pos):
    # type_numbers = node_types.squeeze(-1)
    type_numbers = jnp.squeeze(node_types, axis=-1)
    # one_hot encoding, cast to positions dtype (faithful to torch F.one_hot + .to(dtype))
    one_hot = jax.nn.one_hot(type_numbers, NUM_TYPES, dtype=pos.dtype)
    # data[NODE_ATTRS_KEY] = one_hot; data[NODE_FEATURES_KEY] = one_hot (set_features=True)
    node_attrs = one_hot
    node_features = one_hot
    return (node_attrs, node_features)

if __name__ == "__main__":
    import jax
    _d = setup_inputs()
    print(jax.jit(kernel)(*tuple(_d.values())))

</pallas_src>

<mosaic_0001>
#map = affine_map<(d0, d1) -> (0)>
module attributes {stable_mosaic.version = 14 : i64} {
  func.func @_sc_body(%arg0: i32, %arg1: i32, %arg2: memref<100000xi32, #tpu.memory_space<hbm>>, %arg3: memref<102400xf32, #tpu.memory_space<hbm>>, %arg4: memref<12800000xf32, #tpu.memory_space<hbm>>, %arg5: memref<12800000xf32, #tpu.memory_space<hbm>>, %arg6: memref<3200xi32, #tpu.memory_space<vmem>>, %arg7: memref<102400xf32, #tpu.memory_space<vmem>>, %arg8: memref<!tpu.dma_semaphore, #tpu.memory_space<semaphore_mem>>) attributes {dimension_semantics = [#tpu.dimension_semantics<core_parallel>, #tpu.dimension_semantics<subcore_parallel>], iteration_bounds = array<i64: 2, 16>, scalar_prefetch = 0 : i64, scratch_operands = 3 : i64, tpu.core_type = #tpu.core_type<sc_vector_subcore>, window_params = [{transform_indices = #map}, {transform_indices = #map}, {transform_indices = #map}, {transform_indices = #map}]} {
    %mul3A = arith.constant 2 : i32
    %mul3A_0 = arith.muli %arg1, %mul3A : i32
    %add3A = arith.addi %mul3A_0, %arg0 : i32
    %mul3A_1 = arith.constant 3200 : i32
    %mul3A_2 = arith.muli %add3A, %mul3A_1 : i32
    %min3A = arith.constant 96800 : i32
    %min3A_3 = arith.minsi %mul3A_2, %min3A : i32
    "tpu.region"() ({
      %run_scoped3A = tpu.sem_alloc : memref<!tpu.dma_semaphore, #tpu.memory_space<semaphore_mem>>
      %dma_start3A = tpu.memref_slice %arg2[%min3A_3] : memref<100000xi32, #tpu.memory_space<hbm>> -> memref<3200xi32, #tpu.memory_space<hbm>>
      %dma_start3A_13 = tpu.memref_slice %arg2[%min3A_3] : memref<100000xi32, #tpu.memory_space<hbm>> -> memref<3200xi32, #tpu.memory_space<hbm>>
      tpu.enqueue_dma source(%dma_start3A_13 : memref<3200xi32, #tpu.memory_space<hbm>>) target(%arg6 : memref<3200xi32, #tpu.memory_space<vmem>>) target_semaphore(%run_scoped3A : memref<!tpu.dma_semaphore, #tpu.memory_space<semaphore_mem>>)
      %dma_wait3A = tpu.memref_slice %arg2[%min3A_3] : memref<100000xi32, #tpu.memory_space<hbm>> -> memref<3200xi32, #tpu.memory_space<hbm>>
      %dma_wait3A_14 = tpu.memref_slice %arg2[%min3A_3] : memref<100000xi32, #tpu.memory_space<hbm>> -> memref<3200xi32, #tpu.memory_space<hbm>>
      tpu.wait_dma2 semaphore(%run_scoped3A : memref<!tpu.dma_semaphore, #tpu.memory_space<semaphore_mem>>) src(%dma_wait3A_14 : memref<3200xi32, #tpu.memory_space<hbm>>) dst(%arg6 : memref<3200xi32, #tpu.memory_space<vmem>>)
      tpu.yield
    }) : () -> ()
    "tpu.region"() ({
      %run_scoped3A = tpu.sem_alloc : memref<!tpu.dma_semaphore, #tpu.memory_space<semaphore_mem>>
      tpu.enqueue_dma source(%arg3 : memref<102400xf32, #tpu.memory_space<hbm>>) target(%arg7 : memref<102400xf32, #tpu.memory_space<vmem>>) target_semaphore(%run_scoped3A : memref<!tpu.dma_semaphore, #tpu.memory_space<semaphore_mem>>)
      tpu.wait_dma2 semaphore(%run_scoped3A : memref<!tpu.dma_semaphore, #tpu.memory_space<semaphore_mem>>) src(%arg3 : memref<102400xf32, #tpu.memory_space<hbm>>) dst(%arg7 : memref<102400xf32, #tpu.memory_space<vmem>>)
      tpu.yield
    }) : () -> ()
    %broadcast_in_dim3A = arith.constant 1.000000e+00 : f32
    %broadcast_in_dim3A_4 = vector.broadcast %broadcast_in_dim3A : f32 to vector<16xf32>
    %broadcast_in_dim3A_5 = arith.constant 0.000000e+00 : f32
    %broadcast_in_dim3A_6 = vector.broadcast %broadcast_in_dim3A_5 : f32 to vector<16xf32>
    %iota3A = tpu.iota {dimensions = array<i32: 0>} : vector<16xi32>
    %scan3A = arith.constant 0 : i32
    %scan3A_7 = arith.constant 0 : i32
    %scan3A_8 = arith.constant 4 : i32
    %scan3A_9 = arith.addi %scan3A_7, %scan3A_8 : i32
    %scan3A_10 = arith.constant 1 : i32
    %scan3A_11 = scf.for %scan3A_13 = %scan3A_7 to %scan3A_9 step %scan3A_10 iter_args(%scan3A_14 = %scan3A) -> (i32)  : i32 {
      %scan3A_15 = arith.constant 0 : i32
      %scan3A_16 = arith.constant 0 : i32
      %scan3A_17 = arith.constant 50 : i32
      %scan3A_18 = arith.addi %scan3A_16, %scan3A_17 : i32
      %scan3A_19 = arith.constant 1 : i32
      %scan3A_20 = scf.for %scan3A_41 = %scan3A_16 to %scan3A_18 step %scan3A_19 iter_args(%scan3A_42 = %scan3A_15) -> (i32)  : i32 {
        %mul3A_43 = arith.constant 800 : i32
        %mul3A_44 = arith.muli %scan3A_13, %mul3A_43 : i32
        %mul3A_45 = arith.constant 16 : i32
        %mul3A_46 = arith.muli %scan3A_41, %mul3A_45 : i32
        %add3A_47 = arith.addi %mul3A_44, %mul3A_46 : i32
        %get3A = arith.index_cast %add3A_47 : i32 to index
        %get3A_48 = tpu.vector_load %arg6[%get3A] {strides = array<i32>} : memref<3200xi32, #tpu.memory_space<vmem>>, vector<16xi32>,
        %mul3A_49 = arith.constant 16 : i32
        %mul3A_50 = arith.muli %scan3A_41, %mul3A_49 : i32
        %add3A_51 = vector.broadcast %mul3A_50 : i32 to vector<16xi32>
        %add3A_52 = arith.addi %add3A_51, %iota3A : vector<16xi32>
        %mul3A_53 = arith.constant 128 : i32
        %mul3A_54 = vector.broadcast %mul3A_53 : i32 to vector<16xi32>
        %mul3A_55 = arith.muli %add3A_52, %mul3A_54 : vector<16xi32>
        %add3A_56 = arith.addi %mul3A_55, %get3A_48 : vector<16xi32>
        tpu.vector_store_idx %arg7[%add3A_56], %broadcast_in_dim3A_4 : memref<102400xf32, #tpu.memory_space<vmem>>[vector<16xi32>], vector<16xf32>,
        %scan3A_57 = arith.constant 0 : i32
        scf.yield %scan3A_57 : i32
      }
      %scan3A_21 = arith.constant 50 : i32
      %mul3A_22 = arith.constant 800 : i32
      %mul3A_23 = arith.muli %scan3A_13, %mul3A_22 : i32
      %add3A_24 = arith.addi %min3A_3, %mul3A_23 : i32
      %mul3A_25 = arith.constant 128 : i32
      %mul3A_26 = arith.muli %add3A_24, %mul3A_25 : i32
      %dma_start3A = tpu.memref_slice %arg4[%mul3A_26] : memref<12800000xf32, #tpu.memory_space<hbm>> -> memref<102400xf32, #tpu.memory_space<hbm>>
      %dma_start3A_27 = tpu.memref_slice %arg4[%mul3A_26] : memref<12800000xf32, #tpu.memory_space<hbm>> -> memref<102400xf32, #tpu.memory_space<hbm>>
      tpu.enqueue_dma source(%arg7 : memref<102400xf32, #tpu.memory_space<vmem>>) target(%dma_start3A_27 : memref<102400xf32, #tpu.memory_space<hbm>>) target_semaphore(%arg8 : memref<!tpu.dma_semaphore, #tpu.memory_space<semaphore_mem>>)
      %dma_start3A_28 = tpu.memref_slice %arg5[%mul3A_26] : memref<12800000xf32, #tpu.memory_space<hbm>> -> memref<102400xf32, #tpu.memory_space<hbm>>
      %dma_start3A_29 = tpu.memref_slice %arg5[%mul3A_26] : memref<12800000xf32, #tpu.memory_space<hbm>> -> memref<102400xf32, #tpu.memory_space<hbm>>
      tpu.enqueue_dma source(%arg7 : memref<102400xf32, #tpu.memory_space<vmem>>) target(%dma_start3A_29 : memref<102400xf32, #tpu.memory_space<hbm>>) target_semaphore(%arg8 : memref<!tpu.dma_semaphore, #tpu.memory_space<semaphore_mem>>)
      %dma_wait3A = tpu.memref_slice %arg4[%mul3A_26] : memref<12800000xf32, #tpu.memory_space<hbm>> -> memref<102400xf32, #tpu.memory_space<hbm>>
      %dma_wait3A_30 = tpu.memref_slice %arg4[%mul3A_26] : memref<12800000xf32, #tpu.memory_space<hbm>> -> memref<102400xf32, #tpu.memory_space<hbm>>
      tpu.wait_dma2 semaphore(%arg8 : memref<!tpu.dma_semaphore, #tpu.memory_space<semaphore_mem>>) src(%arg7 : memref<102400xf32, #tpu.memory_space<vmem>>) dst(%dma_wait3A_30 : memref<102400xf32, #tpu.memory_space<hbm>>)
      %dma_wait3A_31 = tpu.memref_slice %arg5[%mul3A_26] : memref<12800000xf32, #tpu.memory_space<hbm>> -> memref<102400xf32, #tpu.memory_space<hbm>>
      %dma_wait3A_32 = tpu.memref_slice %arg5[%mul3A_26] : memref<12800000xf32, #tpu.memory_space<hbm>> -> memref<102400xf32, #tpu.memory_space<hbm>>
      tpu.wait_dma2 semaphore(%arg8 : memref<!tpu.dma_semaphore, #tpu.memory_space<semaphore_mem>>) src(%arg7 : memref<102400xf32, #tpu.memory_space<vmem>>) dst(%dma_wait3A_32 : memref<102400xf32, #tpu.memory_space<hbm>>)
      %scan3A_33 = arith.constant 0 : i32
      %scan3A_34 = arith.constant 0 : i32
      %scan3A_35 = arith.constant 50 : i32
      %scan3A_36 = arith.addi %scan3A_34, %scan3A_35 : i32
      %scan3A_37 = arith.constant 1 : i32
      %scan3A_38 = scf.for %scan3A_41 = %scan3A_34 to %scan3A_36 step %scan3A_37 iter_args(%scan3A_42 = %scan3A_33) -> (i32)  : i32 {
        %mul3A_43 = arith.constant 800 : i32
        %mul3A_44 = arith.muli %scan3A_13, %mul3A_43 : i32
        %mul3A_45 = arith.constant 16 : i32
        %mul3A_46 = arith.muli %scan3A_41, %mul3A_45 : i32
        %add3A_47 = arith.addi %mul3A_44, %mul3A_46 : i32
        %get3A = arith.index_cast %add3A_47 : i32 to index
        %get3A_48 = tpu.vector_load %arg6[%get3A] {strides = array<i32>} : memref<3200xi32, #tpu.memory_space<vmem>>, vector<16xi32>,
        %mul3A_49 = arith.constant 16 : i32
        %mul3A_50 = arith.muli %scan3A_41, %mul3A_49 : i32
        %add3A_51 = vector.broadcast %mul3A_50 : i32 to vector<16xi32>
        %add3A_52 = arith.addi %add3A_51, %iota3A : vector<16xi32>
        %mul3A_53 = arith.constant 128 : i32
        %mul3A_54 = vector.broadcast %mul3A_53 : i32 to vector<16xi32>
        %mul3A_55 = arith.muli %add3A_52, %mul3A_54 : vector<16xi32>
        %add3A_56 = arith.addi %mul3A_55, %get3A_48 : vector<16xi32>
        tpu.vector_store_idx %arg7[%add3A_56], %broadcast_in_dim3A_6 : memref<102400xf32, #tpu.memory_space<vmem>>[vector<16xi32>], vector<16xf32>,
        %scan3A_57 = arith.constant 0 : i32
        scf.yield %scan3A_57 : i32
      }
      %scan3A_39 = arith.constant 50 : i32
      %scan3A_40 = arith.constant 0 : i32
      scf.yield %scan3A_40 : i32
    }
    %scan3A_12 = arith.constant 4 : i32
    return
  }
}

</mosaic_0001>

<sc_bundles>
// kernel: kernel.3.cloned.1.call-start
scs
__scs_entry_jumppad:
0x0: {  	(pc) =	sbr.rel $0x88, $3  }
0x1: {  	(tag) =	ssettag $0x0;
	lr =	simm.s32 $0x1  }
0x2: {  	[smem:$0x3FA0] =	sst lr;
	_ =	strace $0xD0000000  }
0x3: {  	_ = 	snop  }
0x4: {  	_ = 	snop  }
0x5: {  	_ = 	snop  }
0x6: {  	_ = 	snop  }
0x7: {  	_ = 	snop  }
__scs_overlays_trampoline_lowered:
0x8: {  	[smem:$0x3FAF] =	sst s0  }
0x9: {  	[smem:$0x3FB0] =	sst s1  }
0xa: {  	[smem:$0x3FB1] =	sst s2  }
0xb: {  	[smem:$0x3FB2] =	sst s3  }
0xc: {  	[smem:$0x3FB3] =	sst s4  }
0xd: {  	[smem:$0x3FB4] =	sst s5  }
0xe: {  	[smem:$0x3FB5] =	sst s6  }
0xf: {  	[smem:$0x3FB6] =	sst s7  }
0x10: {  	[smem:$0x3FB7] =	sst s8  }
0x11: {  	[smem:$0x3FB8] =	sst s9;
	s0 =	simm.s32 @!p0 $0x0  }
0x12: {  	s1 =	sld [smem:$0x3F9E];
	s0 =	simm.s32 @p0 $0x1  }
0x13: {  	[smem:$0x3FB9] =	sst s0;
	s0 =	simm.s32 @!p1 $0x0  }
0x14: {  	s2 =	sld [smem:$0x3F9D];
	s0 =	simm.s32 @p1 $0x1  }
0x15: {  	[smem:$0x3FBA] =	sst s0;
	s0 =	simm.s32 @!p2 $0x0  }
0x16: {  	s3 =	sld [smem:$0x3FDB];
	s0 =	simm.s32 @p2 $0x1  }
0x17: {  	s4 =	simm.s32 $0x1BF5;
	[smem:$0x3FBC] =	sst s0  }
0x18: {  	s0 =	sld [smem:$0x3F9F];
	_ =	swait.ge [sflag:s4], $0x0  }
0x19: {  	s7 =	sld [smem:$0x3FA0]  }
0x1a: {  	s8 =	sadd.s32 $0xFFFFE003, lr  }
0x1b: {  	s9 =	sadd.s32 $0xFFFFFEF7, lr;
	s5 =	simm.s32 $0xFFFFFFFF;
	p2 =	slt.u32 s8, $0xFFFFF086  }
0x1c: {  	p1 =	slt.u32 s9, $0xF7A;
	s5 =	simm.s32 @!p2 $0x0  }
0x1d: {  	s5 =	simm.s32 @p1 $0x1;
	p0 =	seq.s32 s7, s2  }
0x1e: {  	s7 =	smul.u32 @!p0 $0xF7A, s2;
	p2 =	seq.s32 @!p0 s5, $0x0  }
0x1f: {  	s9 =	smul.u32 $0xF7A, s1;
	s8 =	simm.s32 @!p0 $0x1BF5;
	p2 =	por !p2, p0  }
0x20: {  	[sflag:s8] =	ssyncset.s32 @!p0 $0xFFFFF086;
	s6 =	sadd.s32 @!p0 s3, s7;
	s7 =	simm.s32 @!p0 $0x108  }
0x21: {  	s3 =	sadd.s32 s3, s9;
	s6 =	sadd.s32 @!p0 $0x88, s6;
	s7 =	simm.s32 @p2 $0x1082  }
0x22: {  	[simem:s7], [sflag:s8] =	dma.local @!p0 [hbm:s6], $0xF7A  }
0x23: {  	s9 =	sor.u32 $0xD0000000, s2;
	s6 =	simm.s32 $0x108;
	_ =	swait.ge @!p0 [sflag:s8], $0x0  }
0x24: {  	s3 =	sadd.s32 $0x88, s3;
	s6 =	simm.s32 @!p1 $0x1082;
	[sflag:s4] =	ssyncset.s32 $0xFFFFF086  }
0x25: {  	[simem:s6], [sflag:s4] =	dma.local [hbm:s3], $0xF7A  }
0x26: {  	[smem:$0x3FA0] =	sst s1;
	(tag) =	ssettag s2;
	_ =	strace s9  }
0x27: {  	s1 =	sld [smem:$0x3FB0]  }
0x28: {  	s2 =	sld [smem:$0x3FB1]  }
0x29: {  	s4 =	sld [smem:$0x3FB3]  }
0x2a: {  	p0 =	seq.s32 s5, $0x0;
	s5 =	sld [smem:$0x3FB4]  }
0x2b: {  	s6 =	sld [smem:$0x3FB5]  }
0x2c: {  	s7 =	sld [smem:$0x3FB6]  }
0x2d: {  	s3 =	simm.s32 $0x108;
	s8 =	sld [smem:$0x3FB7]  }
0x2e: {  	s3 =	simm.s32 @!p0 $0x1082;
	s9 =	sld [smem:$0x3FB8]  }
0x2f: {  	lr =	sadd.s32 s0, s3;
	s0 =	sld [smem:$0x3FAF]  }
0x30: {  	s3 =	sld [smem:$0x3FB2]  }
0x31: {  	[smem:$0x3FBB] =	sst s10  }
0x32: {  	s10 =	sld [smem:$0x3FB9];
	_ =	sdelay $0x3  }
0x33: {  	p0 =	seq.s32 s10, $0x1;
	s10 =	sld [smem:$0x3FBB];
	_ =	sdelay $0x3  }
0x34: {  	[smem:$0x3FBB] =	sst s10  }
0x35: {  	s10 =	sld [smem:$0x3FBA];
	_ =	sdelay $0x3  }
0x36: {  	p1 =	seq.s32 s10, $0x1;
	s10 =	sld [smem:$0x3FBB];
	_ =	sdelay $0x3  }
0x37: {  	[smem:$0x3FBB] =	sst s10  }
0x38: {  	s10 =	sld [smem:$0x3FBC]  }
0x39: {  	_ = 	snop;
	(pc) =	sbr.ind lr, $3  }
0x3a: {  	_ = 	snop  }
0x3b: {  	_ = 	snop  }
0x3c: {  	p2 =	seq.s32 s10, $0x1;
	s10 =	sld [smem:$0x3FBB]  }
0x3d: {  	_ =	shalt  }
0x3e: {  	_ =	shalt  }
0x3f: {  	_ =	shalt  }
0x40: {  	_ =	shalt  }
0x41: {  	_ =	shalt  }
0x42: {  	_ =	shalt  }
0x43: {  	_ =	shalt  }
0x44: {  	_ =	shalt  }
0x45: {  	_ =	shalt  }
0x46: {  	_ =	shalt  }
0x47: {  	_ =	shalt  }
0x48: {  	_ =	shalt  }
0x49: {  	_ =	shalt  }
0x4a: {  	_ =	shalt  }
0x4b: {  	_ =	shalt  }
0x4c: {  	_ =	shalt  }
0x4d: {  	_ =	shalt  }
0x4e: {  	_ =	shalt  }
0x4f: {  	_ =	shalt  }
0x50: {  	_ =	shalt  }
0x51: {  	_ =	shalt  }
0x52: {  	_ =	shalt  }
0x53: {  	_ =	shalt  }
0x54: {  	_ =	shalt  }
0x55: {  	_ =	shalt  }
0x56: {  	_ =	shalt  }
0x57: {  	_ =	shalt  }
0x58: {  	_ =	shalt  }
0x59: {  	_ =	shalt  }
0x5a: {  	_ =	shalt  }
0x5b: {  	_ =	shalt  }
0x5c: {  	_ =	shalt  }
0x5d: {  	_ =	shalt  }
0x5e: {  	_ =	shalt  }
0x5f: {  	_ =	shalt  }
0x60: {  	_ =	shalt  }
0x61: {  	_ =	shalt  }
0x62: {  	_ =	shalt  }
0x63: {  	_ =	shalt  }
0x64: {  	_ =	shalt  }
0x65: {  	_ =	shalt  }
0x66: {  	_ =	shalt  }
0x67: {  	_ =	shalt  }
0x68: {  	_ =	shalt  }
0x69: {  	_ =	shalt  }
0x6a: {  	_ =	shalt  }
0x6b: {  	_ =	shalt  }
0x6c: {  	_ =	shalt  }
0x6d: {  	_ =	shalt  }
0x6e: {  	_ =	shalt  }
0x6f: {  	_ =	shalt  }
0x70: {  	_ =	shalt  }
0x71: {  	_ =	shalt  }
0x72: {  	_ =	shalt  }
0x73: {  	_ =	shalt  }
0x74: {  	_ =	shalt  }
0x75: {  	_ =	shalt  }
0x76: {  	_ =	shalt  }
0x77: {  	_ =	shalt  }
0x78: {  	_ =	shalt  }
0x79: {  	_ =	shalt  }
0x7a: {  	_ =	shalt  }
0x7b: {  	_ =	shalt  }
0x7c: {  	_ =	shalt  }
0x7d: {  	_ =	shalt  }
0x7e: {  	_ =	shalt  }
0x7f: {  	_ =	shalt  }
0x80: {  	_ =	shalt  }
0x81: {  	_ =	shalt  }
0x82: {  	_ =	shalt  }
0x83: {  	_ =	shalt  }
0x84: {  	_ =	shalt  }
0x85: {  	_ =	shalt  }
0x86: {  	_ =	shalt  }
0x87: {  	_ =	shalt  }
.Lfunc_end0:
.L_simem_size_0:
called_computation_lowered:
.L_overlay_start_0:
0x88: {  	s2 =	sld [smem:$0x3FD9]  }
0x89: {  	s3 =	sld [smem:$0x3FFE];
	_ =	sdelay $0x1  }
0x8a: {  	s1 =	srdreg.scid  }
0x8b: {  	s0 =	sand.u32 $0x1, s1  }
0x8c: {  	s14 =	sshll.u32 s0, $0xA;
	s2 =	sadd.s32 s3, s2  }
0x8d: {  	s2 =	sadd.s32 s2, s14  }
0x8e: {  	[smem:$0x3FC7] =	sst s2  }
0x8f: {  	_ = 	snop  }
0x90: {  	s2 =	sld [smem:$0x3FD0];
	_ =	sdelay $0x2  }
0x91: {  	s15 =	simm.s32 $0xA;
	s4 =	simm.s32 $0x10  }
0x92: {  	[smem:s4], [sflag:s15] =	dma.local [hbm:s2], $0x1  }
0x93: {  	_ =	swait.eq [sflag:s15], $0x1  }
0x94: {  	[sflag:s15] =	ssyncset.done $0x0  }
0x95: {  	s16 =	sld [smem:$0x10];
	[sflag:s15] =	ssyncadd.s32 $0xFFFFFFFF  }
0x96: {  	s17 =	sld [smem:$0x11];
	(tm) =	ssettm $0x1  }
0x97: {  	s18 =	sld [smem:$0x3FFB];
	_ =	sdelay $0x3  }
0x98: {  	_ =	strace s18  }
0x99: {  	s4 =	sld [smem:$0x3FFC];
	_ =	sdelay $0x3  }
0x9a: {  	_ =	strace s4  }
0x9b: {  	s4 =	sld [smem:$0x3FFD];
	_ =	sdelay $0x3  }
0x9c: {  	_ =	strace s4  }
0x9d: {  	_ =	strace $0x8FFFFFFF  }
0x9e: {  	s19 =	sld [smem:$0x3FDB];
	_ =	sdelay $0x1  }
0x9f: {  	s5 =	simm.s32 $_scs_section_size  }
0xa0: {  	s6 =	simm.s32 $_size__tile_overlayer_lowered;
	s7 =	simm.s32 $_tile_overlayer_lowered  }
0xa1: {  	s22 =	simm.s32 $0x1BFF;
	s21 =	sshll.u32 s7, $0x1;
	s4 =	sadd.s32 s5, s19  }
0xa2: {  	s8 =	simm.s32 $0x0;
	s20 =	sshll.u32 s6, $0x1;
	s6 =	sadd.s32 s21, s4  }
0xa3: {  	[timem:s8], [sflag:s22] =	dma.local [hbm:s6], s20  }
0xa4: {  	_ =	swait.ge [sflag:s22], s20  }
0xa5: {  	s5 =	ssub.s32 $0x0, s20;
	[sflag:s22] =	ssyncset.done $0x0  }
0xa6: {  	[sflag:s22] =	ssyncadd.s32 s5;
	_ =	sdelay $0x1  }
0xa7: {  	s23 =	simm.s32 $0x1B8B  }
0xa8: {  	_ =	swait.ge [sflag:s23], $0x1  }
0xa9: {  	[sflag:s23] =	ssyncset.done $0x0  }
0xaa: {  	s25 =	simm.s32 $0x1B8E;
	s24 =	sld [smem:$0x3FFE];
	[sflag:s23] =	ssyncadd.s32 $0xFFFFFFFF  }
0xab: {  	s26 =	simm.s32 $execute0_lowered;
	[smem:$0x3FD2] =	sst s25  }
0xac: {  	s6 =	sshll.u32 s26, $0x1;
	_ =	strace $0x80000046;
	[dreg:$0x1] =	wrdreg $0xFFFFFFFF  }
0xad: {  	s28 =	simm.s32 $_size_execute0_lowered;
	s4 =	sadd.s32 s4, s6;
	[dreg:$0x0] =	wrdreg $0x0  }
0xae: {  	s6 =	sshll.u32 s28, $0x1;
	[dreg:$0x2] =	wrdreg s4  }
0xaf: {  	[dreg:$0x3] =	wrdreg s6  }
0xb0: {  	[dreg:$0x4] =	wrdreg $0xC0  }
0xb1: {  	_ =	task [dreg:s8], $0x5FFFF  }
0xb2: {  	[dreg:$0x1] =	wrdreg $0xFFFFFFFF  }
0xb3: {  	[dreg:$0x0] =	wrdreg $0x60  }
0xb4: {  	[dreg:$0x2] =	wrdreg s24  }
0xb5: {  	[dreg:$0x3] =	wrdreg s16  }
0xb6: {  	[dreg:$0x4] =	wrdreg s17  }
0xb7: {  	[dreg:$0x5] =	wrdreg $0x9  }
0xb8: {  	_ =	task.clear_ibuf [dreg:s8], $0x6FFFF;
	_ =	strace $0x90000046  }
0xb9: {  	s29 =	simm.s32 $0x9;
	_ =	strace $0x80000048  }
0xba: {  	_ =	swait.ge [sflag:s29], $0x1  }
0xbb: {  	[sflag:s29] =	ssyncadd.s32 $0xFFFFFFFF  }
0xbc: {  	_ =	strace $0x90000048  }
0xbd: {  	_ =	sfence  }
0xbe: {  	s30 =	sld [smem:$0x0];
	_ =	sdelay $0x2  }
0xbf: {  	s31 =	sshll.u32 s1, $0xD;
	s1 =	sshrl.u32 s1, $0x2  }
0xc0: {  	s3 =	sand.u32 $0x4000, s31;
	s1 =	sadd.s32 s1, s30  }
0xc1: {  	s0 =	sor.u32 s3, s0;
	s1 =	sshll.u32 s1, $0x11  }
0xc2: {  	s0 =	sor.u32 s1, s0  }
0xc3: {  	s0 =	sadd.s32 $0x8F2B, s0  }
0xc4: {  	[sflag:s0] =	ssyncadd.remote.s32 $0x1  }
0xc5: {  	_ =	sfence.sel $0xFFFF  }
0xc6: {  	[dreg:$0x0] =	wrdreg $0xFFFFFFFF;
	(pc) =	sbr.abs _section_cstart, $3  }
0xc7: {  	[dreg:$0x1] =	wrdreg $0xFFFFFFFF  }
0xc8: {  	_ =	task.clear_ibuf [dreg:s8], $0x2FFFF;
	_ =	strace $0x9FFFFFFF  }
0xc9: {  	(tm) =	ssettm $0x7FFFFFFF  }
tec
execute0_lowered:
.L_overlay_start_1:
0x0: {  	(tag) =	ssettag $0x1  }
0x1: {  	s1 =	srdreg.scid  }
0x2: {  	s0 =	stileid.u32;
	s6 =	rddreg [dreg:$0x0]  }
0x3: {  	s2 =	rddreg [dreg:$0x1];
	s7 =	sand.u32 $0x1, s1;
	s31 =	sshll.u32 s0, $0x1  }
0x4: {  	s3 =	rddreg [dreg:$0x2];
	s1 =	sor.u32 s7, s31  }
0x5: {  	s4 =	simm.s32 $0x0;
	s10 =	simm.s32 $0xC80;
	s5 =	smul.u32 $0xC80, s1  }
0x6: {  	s11 =	simm.s32 $0x1;
	s12 =	simm.s32 $0x0;
	[smem:$0x7FF] =	sst s4  }
0x7: {  	s7 =	ssub.s32 $0x2, s7;
	s1 =	rddreg [dreg:$0x3];
	s5 =	smin.u32 s5, $0x17A20  }
0x8: {  	_ =	strace $0x80000047;
	s9 =	sshrl.u32 s7, $0x1;
	s8 =	sshrl.u32 s5, $0x3  }
0x9: {  	v0 =	vlaneseq.u32;
	s9 =	ssub.s32 s7, s9;
	s8 =	sadd.s32 s8, s6;
	s6 =	sadd.s32 $0x3600, s6  }
0xa: {  	v1 =	vimm.f32 $1.000000000e+00;
	v2 =	vimm.f32 $0.0e+00;
	v0 =	vmul.u32 $0x80, v0;
	s7 =	sadd.s32 $0x400, s8;
	s8 =	smax.u32 s9, $0x1;
	s9 =	simm.s32 $0x2  }
.LBB2_1:
0xb: {  	[tilespmem:s4], [sflag:$0x2] =	stream.linear.gather [hbm4b:s7+s4], $0xC80, $0x38;
	[tilespmem:$0x19C80] =	vst v63  }
0xc: {  	_ =	swait.ge [sflag:s9], $0xC80  }
0xd: {  	[sflag:s9] =	ssyncset.done $0x0  }
0xe: {  	[sflag:s9] =	ssyncadd.s32 $0xFFFFF380  }
0xf: {  	[tilespmem:s10], [sflag:$0x2] =	stream.linear.gather [hbm4b:s6+s4], $0x19000, $0x38;
	[tilespmem:$0x19C80] =	vst v63  }
0x10: {  	_ =	swait.ge [sflag:s9], $0x19000  }
0x11: {  	[sflag:s9] =	ssyncset.done $0x0  }
0x12: {  	s13 =	simm.s32 $0x0;
	s14 =	simm.s32 $0x0;
	[sflag:s9] =	ssyncadd.s32 $0xFFFE7000  }
.LBB2_2:
0x13: {  	s15 =	simm.s32 $0x0;
	v3 =	vld [tilespmem:s13+$0x0];
	s16 =	simm.s32 $0x10;
	s17 =	smov.u32 s13  }
.LBB2_3:
0x14: {  	p0 =	sne.s32 s16, $0x310  }
0x15: {  	v4 =	vmov s15;
	s15 =	smov.u32 s16  }
0x16: {  	v4 =	vshll.u32 v4, $0x7  }
0x17: {  	v4 =	vor.u32 v0, v4  }
0x18: {  	v3 =	vadd.s32 v4, v3;
	_ =	sdelay $0x1  }
.Ltmp0:
0x19: {  	(pc) =	sbr.rel @p0 .LBB2_3-.Ltmp0, $3  }
0x1a: {  	_ =	sdelay $0x1  }
0x1b: {  	s17 =	sadd.s32 $0x10, s17;
	[tilespmem:v3+s10+$0x0] =	vst.idx.msk $0xffff, v1  }
0x1c: {  	s16 =	sadd.s32 $0x10, s16;
	v3 =	vld [tilespmem:s17+$0x0]  }
0x1d: {  	_ = 	snop  }
0x1e: {  	v4 =	vmov s15  }
0x1f: {  	v4 =	vshll.u32 v4, $0x7  }
0x20: {  	v4 =	vor.u32 v0, v4  }
0x21: {  	v3 =	vadd.s32 v4, v3  }
0x22: {  	s31 =	smul.u32 $0x320, s14;
	_ =	sdelay $0x1  }
0x23: {  	s15 =	sadd.s32 s5, s31  }
0x24: {  	s16 =	sshll.u32 s15, $0x4  }
0x25: {  	s15 =	simm.s32 $0x0;
	s17 =	sadd.s32 s2, s16;
	[tilespmem:v3+s10+$0x0] =	vst.idx.msk $0xffff, v1  }
0x26: {  	[hbm4b:s17+s15] =	stream.linear.scatter [tilespmem:s10], [sflag:$0x1], $0x19000, $0x38;
	[tilespmem:$0x19C80] =	vst v63  }
0x27: {  	s16 =	sadd.s32 s3, s16  }
0x28: {  	[hbm4b:s16+s15] =	stream.linear.scatter [tilespmem:s10], [sflag:$0x1], $0x19000, $0x38;
	[tilespmem:$0x19C80] =	vst v63  }
0x29: {  	_ =	swait.ge [sflag:s11], $0x19000  }
0x2a: {  	[sflag:s11] =	ssyncset.done $0x0  }
0x2b: {  	[sflag:s11] =	ssyncadd.s32 $0xFFFE7000  }
0x2c: {  	_ =	swait.ge [sflag:s11], $0x19000  }
0x2d: {  	[sflag:s11] =	ssyncset.done $0x0  }
0x2e: {  	[sflag:s11] =	ssyncadd.s32 $0xFFFE7000  }
0x2f: {  	s17 =	smov.u32 s13;
	s16 =	simm.s32 $0x10;
	v3 =	vld [tilespmem:s13+$0x0]  }
.LBB2_5:
0x30: {  	p0 =	sne.s32 s16, $0x310  }
0x31: {  	v4 =	vmov s15;
	s15 =	smov.u32 s16  }
0x32: {  	v4 =	vshll.u32 v4, $0x7  }
0x33: {  	v4 =	vor.u32 v0, v4  }
0x34: {  	v3 =	vadd.s32 v4, v3;
	_ =	sdelay $0x1  }
.Ltmp1:
0x35: {  	(pc) =	sbr.rel @p0 .LBB2_5-.Ltmp1, $3  }
0x36: {  	_ =	sdelay $0x1  }
0x37: {  	s17 =	sadd.s32 $0x10, s17;
	[tilespmem:v3+s10+$0x0] =	vst.idx.msk $0xffff, v2  }
0x38: {  	s16 =	sadd.s32 $0x10, s16;
	v3 =	vld [tilespmem:s17+$0x0]  }
0x39: {  	_ = 	snop  }
0x3a: {  	v4 =	vmov s15  }
0x3b: {  	v4 =	vshll.u32 v4, $0x7  }
0x3c: {  	s14 =	sadd.s32 $0x1, s14;
	v4 =	vor.u32 v0, v4  }
0x3d: {  	p0 =	sne.s32 s14, $0x4;
	v3 =	vadd.s32 v4, v3  }
.Ltmp2:
0x3e: {  	_ = 	snop;
	(pc) =	sbr.rel @p0 .LBB2_2-.Ltmp2, $2  }
0x3f: {  	_ =	sdelay $0x2  }
0x40: {  	s13 =	sadd.s32 $0x320, s13;
	[tilespmem:v3+s10+$0x0] =	vst.idx.msk $0xffff, v2  }
0x41: {  	s12 =	sadd.s32 $0x1, s12  }
0x42: {  	p0 =	sne.s32 s12, s8  }
.Ltmp3:
0x43: {  	_ = 	snop;
	(pc) =	sbr.rel @p0 .LBB2_1-.Ltmp3, $1  }
0x44: {  	_ =	sdelay $0x3  }
0x45: {  	_ =	sfence.sel $0x180000  }
0x46: {  	[bflag:$0x0] =	sbarrier.arrive $0xFFFF  }
0x47: {  	p0 =	sne.s32 s0, $0x0;
	_ =	strace $0x90000047  }
0x48: {  	s0 =	sadd.s32 @!p0 $0x100000, s1;
	[bflag:$0x2] =	sbarrier.arrive $0xFFFF  }
0x49: {  	[sflag:s0] =	ssyncadd.tile.s32 @!p0 $0x1;
	_ =	shalt  }
.Lfunc_end2:
_tile_overlayer_lowered:
.L_overlay_start_2:
0x4a: {  	(tag) =	ssettag $0x2  }
0x4b: {  	s0 =	rddreg [dreg:$0x0];
	s2 =	stileid.u32  }
0x4c: {  	s1 =	rddreg [dreg:$0x1];
	p0 =	sne.s32 s2, $0x0  }
0x4d: {  	s3 =	rddreg [dreg:$0x2];
	[bflag:$0x3] =	sbarrier.arrive $0xFFFF;
	s2 =	simm.s32 @!p0 $0x1C02  }
0x4e: {  	[timem:s3], [sflag:s2] =	dma.local @!p0 [hbm:s0], s1  }
0x4f: {  	s0 =	simm.s32 @!p0 $0x2  }
0x50: {  	_ =	swait.ge @!p0 [sflag:s0], s1  }
0x51: {  	s1 =	ssub.s32 @!p0 $0x0, s1;
	[sflag:s0] =	ssyncset.done @!p0 $0x0  }
0x52: {  	[sflag:s0] =	ssyncadd.s32 @!p0 s1  }
0x53: {  	[bflag:$0x3] =	sbarrier.arrive $0xFFFF  }
0x54: {  	_ =	shalt  }

</sc_bundles>
